<compile_context>
chip_gen: v7x
topology: tpu7x:2x2x1
jax: 0.10.2.dev20260603
libtpu: 0.0.44.dev20260713+nightly
codegen_flags: <defaults>
</compile_context>

<pallas_src>
import functools

import jax
import jax.numpy as jnp
from jax import lax
from jax.experimental import pallas as pl
from jax.experimental.pallas import tpu as pltpu
from jax.experimental.pallas import tpu_sc as plsc

_D = 128
_B = 4096
_LAMBDA = 0.0005

_info = plsc.get_sparse_core_info()
_NC, _NS, _L = _info.num_cores, _info.num_subcores, _info.num_lanes
_NW = _NC * _NS
_BPW = _B // _NW
_GPR = _D // _L
_OROWS = _BPW // 8

_mesh = plsc.VectorSubcoreMesh(core_axis_name="c", subcore_axis_name="s")


@functools.partial(
    pl.kernel,
    mesh=_mesh,
    out_type=jax.ShapeDtypeStruct((_B // 8, _D), jnp.float32),
    scratch_types=[
        pltpu.VMEM((_BPW,), jnp.int32),
        pltpu.VMEM((_BPW, _D), jnp.float32),
        pltpu.VMEM((_BPW, _D), jnp.float32),
        pltpu.VMEM((_OROWS, _D), jnp.float32),
        pltpu.SemaphoreType.DMA,
        pltpu.SemaphoreType.DMA,
    ],
)
def _sc_partials(feat_hbm, labels_hbm, centers_hbm, out_hbm,
                 idx_v, rows_v, feat_v, out_v, sem_g, sem_f):
    wid = lax.axis_index("s") * _NC + lax.axis_index("c")
    base = wid * _BPW
    pltpu.sync_copy(labels_hbm.at[pl.ds(base, _BPW)], idx_v)
    gather_cp = pltpu.async_copy(centers_hbm.at[idx_v], rows_v, sem_g)
    feat_cp = pltpu.async_copy(feat_hbm.at[pl.ds(base, _BPW)], feat_v, sem_f)
    gather_cp.wait()
    feat_cp.wait()

    def row_body(i, carry):
        acc = jnp.zeros((_L,), jnp.float32)
        for d in range(_GPR):
            f = feat_v[i, pl.ds(d * _L, _L)]
            c = rows_v[i, pl.ds(d * _L, _L)]
            df = f - c
            acc = acc + df * df
        out_v[i // 8, pl.ds((i % 8) * _L, _L)] = acc
        return carry

    lax.fori_loop(0, _BPW, row_body, 0)
    pltpu.sync_copy(out_v, out_hbm.at[pl.ds(wid * _OROWS, _OROWS)])


def _tc_finish_body(partials_ref, out_ref):
    x = partials_ref[...]
    cols = lax.broadcasted_iota(jnp.int32, (_D, 8), 0)
    groups = lax.broadcasted_iota(jnp.int32, (_D, 8), 1)
    g = (cols // _L == groups).astype(jnp.float32)
    sumsq = jnp.dot(x, g, preferred_element_type=jnp.float32)
    out_ref[0, 0] = jnp.sum(jnp.sqrt(sumsq)) * (_LAMBDA / _B)


@jax.jit
def _impl(features, labels, centers):
    partials = _sc_partials(features, labels.astype(jnp.int32), centers)
    loss = pl.pallas_call(
        _tc_finish_body,
        out_shape=jax.ShapeDtypeStruct((1, 1), jnp.float32),
        out_specs=pl.BlockSpec(memory_space=pltpu.SMEM),
    )(partials)
    return loss.reshape(())


def kernel(features, labels, centers):
    return _impl(features, labels, centers)

# --- scband reference (transcript-rebuilt; emitter-appended) ---
"""Pipeline reference for scband-center-loss-56367150793292 (READ-ONLY COPY).

The authoritative reference and input builder live on the scoring server;
editing this copy changes nothing except your own understanding.
"""

import jax, jax.numpy as jnp
import numpy as np

NUM_CLASSES = 100000
FEATURE_DIM = 128
BATCH = 4096
LAMBDA_CENTER = 0.0005


def setup_inputs(seed: int = 0) -> dict:
    key = jax.random.key(seed)
    k1, k2, k3 = jax.random.split(key, 3)
    features = jax.random.normal(k1, (BATCH, FEATURE_DIM), dtype=jnp.float32)
    labels = jax.random.randint(k2, (BATCH,), 0, NUM_CLASSES, dtype=jnp.int64 if jax.config.read('jax_enable_x64') else jnp.int32)
    centers = jax.random.normal(k3, (NUM_CLASSES, FEATURE_DIM), dtype=jnp.float32)
    return {"features": features, "labels": labels, "centers": centers}


def reference(features, labels, centers):
    # centers_batch = self.centers[labels]  (gather -> SparseCore friendly)
    centers_batch = jnp.take(centers, labels, axis=0)
    # loss = torch.norm(features - centers_batch, dim=1).mean()
    diff = features - centers_batch
    loss = jnp.mean(jnp.linalg.norm(diff, axis=1))
    return LAMBDA_CENTER * loss

if __name__ == "__main__":
    import jax
    _d = setup_inputs()
    print(jax.jit(kernel)(*tuple(_d.values())))

</pallas_src>

<mosaic_0001>
#map = affine_map<(d0, d1) -> (0, 0)>
#map1 = affine_map<(d0, d1) -> (0)>
module attributes {stable_mosaic.version = 14 : i64} {
  func.func @_sc_partials(%arg0: i32, %arg1: i32, %arg2: memref<4096x128xf32, #tpu.memory_space<hbm>>, %arg3: memref<4096xi32, #tpu.memory_space<hbm>>, %arg4: memref<100000x128xf32, #tpu.memory_space<hbm>>, %arg5: memref<512x128xf32, #tpu.memory_space<hbm>>, %arg6: memref<128xi32, #tpu.memory_space<vmem>>, %arg7: memref<128x128xf32, #tpu.memory_space<vmem>>, %arg8: memref<128x128xf32, #tpu.memory_space<vmem>>, %arg9: memref<16x128xf32, #tpu.memory_space<vmem>>, %arg10: memref<!tpu.dma_semaphore, #tpu.memory_space<semaphore_mem>>, %arg11: memref<!tpu.dma_semaphore, #tpu.memory_space<semaphore_mem>>) attributes {dimension_semantics = [#tpu.dimension_semantics<core_parallel>, #tpu.dimension_semantics<subcore_parallel>], iteration_bounds = array<i64: 2, 16>, scalar_prefetch = 0 : i64, scratch_operands = 6 : i64, tpu.core_type = #tpu.core_type<sc_vector_subcore>, window_params = [{transform_indices = #map}, {transform_indices = #map1}, {transform_indices = #map}, {transform_indices = #map}]} {
    %mul3A = arith.constant 2 : i32
    %mul3A_0 = arith.muli %arg1, %mul3A : i32
    %add3A = arith.addi %mul3A_0, %arg0 : i32
    %mul3A_1 = arith.constant 128 : i32
    %mul3A_2 = arith.muli %add3A, %mul3A_1 : i32
    "tpu.region"() ({
      %run_scoped3A = tpu.sem_alloc : memref<!tpu.dma_semaphore, #tpu.memory_space<semaphore_mem>>
      %dma_start3A_22 = tpu.memref_slice %arg3[%mul3A_2] : memref<4096xi32, #tpu.memory_space<hbm>> -> memref<128xi32, #tpu.memory_space<hbm>>
      %dma_start3A_23 = tpu.memref_slice %arg3[%mul3A_2] : memref<4096xi32, #tpu.memory_space<hbm>> -> memref<128xi32, #tpu.memory_space<hbm>>
      tpu.enqueue_dma source(%dma_start3A_23 : memref<128xi32, #tpu.memory_space<hbm>>) target(%arg6 : memref<128xi32, #tpu.memory_space<vmem>>) target_semaphore(%run_scoped3A : memref<!tpu.dma_semaphore, #tpu.memory_space<semaphore_mem>>)
      %dma_wait3A_24 = tpu.memref_slice %arg3[%mul3A_2] : memref<4096xi32, #tpu.memory_space<hbm>> -> memref<128xi32, #tpu.memory_space<hbm>>
      %dma_wait3A_25 = tpu.memref_slice %arg3[%mul3A_2] : memref<4096xi32, #tpu.memory_space<hbm>> -> memref<128xi32, #tpu.memory_space<hbm>>
      tpu.wait_dma2 semaphore(%run_scoped3A : memref<!tpu.dma_semaphore, #tpu.memory_space<semaphore_mem>>) src(%dma_wait3A_25 : memref<128xi32, #tpu.memory_space<hbm>>) dst(%arg6 : memref<128xi32, #tpu.memory_space<vmem>>)
      tpu.yield
    }) : () -> ()
    %dma_start3A = arith.constant 0 : i32
    %dma_start3A_3 = arith.constant 0 : i32
    %dma_start3A_4 = tpu.memref_slice %arg4[%dma_start3A, %dma_start3A_3] : memref<100000x128xf32, #tpu.memory_space<hbm>> -> memref<100000x128xf32, #tpu.memory_space<hbm>>
    tpu.enqueue_indirect_dma source(%dma_start3A_4 : memref<100000x128xf32, #tpu.memory_space<hbm>>) target(%arg7 : memref<128x128xf32, #tpu.memory_space<vmem>>) offsets(%arg6 : memref<128xi32, #tpu.memory_space<vmem>>) semaphore(%arg10 : memref<!tpu.dma_semaphore, #tpu.memory_space<semaphore_mem>>)
    %dma_start3A_5 = arith.constant 0 : i32
    %dma_start3A_6 = tpu.memref_slice %arg2[%mul3A_2, %dma_start3A_5] : memref<4096x128xf32, #tpu.memory_space<hbm>> -> memref<128x128xf32, #tpu.memory_space<hbm>>
    %dma_start3A_7 = arith.constant 0 : i32
    %dma_start3A_8 = tpu.memref_slice %arg2[%mul3A_2, %dma_start3A_7] : memref<4096x128xf32, #tpu.memory_space<hbm>> -> memref<128x128xf32, #tpu.memory_space<hbm>>
    tpu.enqueue_dma source(%dma_start3A_8 : memref<128x128xf32, #tpu.memory_space<hbm>>) target(%arg8 : memref<128x128xf32, #tpu.memory_space<vmem>>) target_semaphore(%arg11 : memref<!tpu.dma_semaphore, #tpu.memory_space<semaphore_mem>>)
    %dma_wait3A = arith.constant 0 : i32
    %dma_wait3A_9 = arith.constant 0 : i32
    %dma_wait3A_10 = tpu.memref_slice %arg4[%dma_wait3A, %dma_wait3A_9] : memref<100000x128xf32, #tpu.memory_space<hbm>> -> memref<100000x128xf32, #tpu.memory_space<hbm>>
    tpu.wait_indirect_dma semaphore(%arg10 : memref<!tpu.dma_semaphore, #tpu.memory_space<semaphore_mem>>) src(%dma_wait3A_10 : memref<100000x128xf32, #tpu.memory_space<hbm>>) dst(%arg7 : memref<128x128xf32, #tpu.memory_space<vmem>>)
    %dma_wait3A_11 = arith.constant 0 : i32
    %dma_wait3A_12 = tpu.memref_slice %arg2[%mul3A_2, %dma_wait3A_11] : memref<4096x128xf32, #tpu.memory_space<hbm>> -> memref<128x128xf32, #tpu.memory_space<hbm>>
    %dma_wait3A_13 = arith.constant 0 : i32
    %dma_wait3A_14 = tpu.memref_slice %arg2[%mul3A_2, %dma_wait3A_13] : memref<4096x128xf32, #tpu.memory_space<hbm>> -> memref<128x128xf32, #tpu.memory_space<hbm>>
    tpu.wait_dma2 semaphore(%arg11 : memref<!tpu.dma_semaphore, #tpu.memory_space<semaphore_mem>>) src(%dma_wait3A_14 : memref<128x128xf32, #tpu.memory_space<hbm>>) dst(%arg8 : memref<128x128xf32, #tpu.memory_space<vmem>>)
    %scan3A = arith.constant 0 : i32
    %scan3A_15 = arith.constant 0 : i32
    %scan3A_16 = arith.constant 128 : i32
    %scan3A_17 = arith.addi %scan3A_15, %scan3A_16 : i32
    %scan3A_18 = arith.constant 1 : i32
    scf.for %scan3A_22 = %scan3A_15 to %scan3A_17 step %scan3A_18  : i32 {
      %broadcast_in_dim3A = arith.constant 0.000000e+00 : f32
      %broadcast_in_dim3A_23 = vector.broadcast %broadcast_in_dim3A : f32 to vector<16xf32>
      %get3A = arith.index_cast %scan3A_22 : i32 to index
      %get3A_24 = arith.constant 0 : index
      %get3A_25 = tpu.vector_load %arg8[%get3A, %get3A_24] {strides = array<i32>} : memref<128x128xf32, #tpu.memory_space<vmem>>, vector<1x16xf32>,
      %get3A_26 = vector.shape_cast %get3A_25 : vector<1x16xf32> to vector<16xf32>
      %get3A_27 = arith.index_cast %scan3A_22 : i32 to index
      %get3A_28 = arith.constant 0 : index
      %get3A_29 = tpu.vector_load %arg7[%get3A_27, %get3A_28] {strides = array<i32>} : memref<128x128xf32, #tpu.memory_space<vmem>>, vector<1x16xf32>,
      %get3A_30 = vector.shape_cast %get3A_29 : vector<1x16xf32> to vector<16xf32>
      %sub3A = arith.subf %get3A_26, %get3A_30 : vector<16xf32>
      %mul3A_31 = arith.mulf %sub3A, %sub3A : vector<16xf32>
      %add3A_32 = arith.addf %broadcast_in_dim3A_23, %mul3A_31 : vector<16xf32>
      %get3A_33 = arith.index_cast %scan3A_22 : i32 to index
      %get3A_34 = arith.constant 16 : index
      %get3A_35 = tpu.vector_load %arg8[%get3A_33, %get3A_34] {strides = array<i32>} : memref<128x128xf32, #tpu.memory_space<vmem>>, vector<1x16xf32>,
      %get3A_36 = vector.shape_cast %get3A_35 : vector<1x16xf32> to vector<16xf32>
      %get3A_37 = arith.index_cast %scan3A_22 : i32 to index
      %get3A_38 = arith.constant 16 : index
      %get3A_39 = tpu.vector_load %arg7[%get3A_37, %get3A_38] {strides = array<i32>} : memref<128x128xf32, #tpu.memory_space<vmem>>, vector<1x16xf32>,
      %get3A_40 = vector.shape_cast %get3A_39 : vector<1x16xf32> to vector<16xf32>
      %sub3A_41 = arith.subf %get3A_36, %get3A_40 : vector<16xf32>
      %mul3A_42 = arith.mulf %sub3A_41, %sub3A_41 : vector<16xf32>
      %add3A_43 = arith.addf %add3A_32, %mul3A_42 : vector<16xf32>
      %get3A_44 = arith.index_cast %scan3A_22 : i32 to index
      %get3A_45 = arith.constant 32 : index
      %get3A_46 = tpu.vector_load %arg8[%get3A_44, %get3A_45] {strides = array<i32>} : memref<128x128xf32, #tpu.memory_space<vmem>>, vector<1x16xf32>,
      %get3A_47 = vector.shape_cast %get3A_46 : vector<1x16xf32> to vector<16xf32>
      %get3A_48 = arith.index_cast %scan3A_22 : i32 to index
      %get3A_49 = arith.constant 32 : index
      %get3A_50 = tpu.vector_load %arg7[%get3A_48, %get3A_49] {strides = array<i32>} : memref<128x128xf32, #tpu.memory_space<vmem>>, vector<1x16xf32>,
      %get3A_51 = vector.shape_cast %get3A_50 : vector<1x16xf32> to vector<16xf32>
      %sub3A_52 = arith.subf %get3A_47, %get3A_51 : vector<16xf32>
      %mul3A_53 = arith.mulf %sub3A_52, %sub3A_52 : vector<16xf32>
      %add3A_54 = arith.addf %add3A_43, %mul3A_53 : vector<16xf32>
      %get3A_55 = arith.index_cast %scan3A_22 : i32 to index
      %get3A_56 = arith.constant 48 : index
      %get3A_57 = tpu.vector_load %arg8[%get3A_55, %get3A_56] {strides = array<i32>} : memref<128x128xf32, #tpu.memory_space<vmem>>, vector<1x16xf32>,
      %get3A_58 = vector.shape_cast %get3A_57 : vector<1x16xf32> to vector<16xf32>
      %get3A_59 = arith.index_cast %scan3A_22 : i32 to index
      %get3A_60 = arith.constant 48 : index
      %get3A_61 = tpu.vector_load %arg7[%get3A_59, %get3A_60] {strides = array<i32>} : memref<128x128xf32, #tpu.memory_space<vmem>>, vector<1x16xf32>,
      %get3A_62 = vector.shape_cast %get3A_61 : vector<1x16xf32> to vector<16xf32>
      %sub3A_63 = arith.subf %get3A_58, %get3A_62 : vector<16xf32>
      %mul3A_64 = arith.mulf %sub3A_63, %sub3A_63 : vector<16xf32>
      %add3A_65 = arith.addf %add3A_54, %mul3A_64 : vector<16xf32>
      %get3A_66 = arith.index_cast %scan3A_22 : i32 to index
      %get3A_67 = arith.constant 64 : index
      %get3A_68 = tpu.vector_load %arg8[%get3A_66, %get3A_67] {strides = array<i32>} : memref<128x128xf32, #tpu.memory_space<vmem>>, vector<1x16xf32>,
      %get3A_69 = vector.shape_cast %get3A_68 : vector<1x16xf32> to vector<16xf32>
      %get3A_70 = arith.index_cast %scan3A_22 : i32 to index
      %get3A_71 = arith.constant 64 : index
      %get3A_72 = tpu.vector_load %arg7[%get3A_70, %get3A_71] {strides = array<i32>} : memref<128x128xf32, #tpu.memory_space<vmem>>, vector<1x16xf32>,
      %get3A_73 = vector.shape_cast %get3A_72 : vector<1x16xf32> to vector<16xf32>
      %sub3A_74 = arith.subf %get3A_69, %get3A_73 : vector<16xf32>
      %mul3A_75 = arith.mulf %sub3A_74, %sub3A_74 : vector<16xf32>
      %add3A_76 = arith.addf %add3A_65, %mul3A_75 : vector<16xf32>
      %get3A_77 = arith.index_cast %scan3A_22 : i32 to index
      %get3A_78 = arith.constant 80 : index
      %get3A_79 = tpu.vector_load %arg8[%get3A_77, %get3A_78] {strides = array<i32>} : memref<128x128xf32, #tpu.memory_space<vmem>>, vector<1x16xf32>,
      %get3A_80 = vector.shape_cast %get3A_79 : vector<1x16xf32> to vector<16xf32>
      %get3A_81 = arith.index_cast %scan3A_22 : i32 to index
      %get3A_82 = arith.constant 80 : index
      %get3A_83 = tpu.vector_load %arg7[%get3A_81, %get3A_82] {strides = array<i32>} : memref<128x128xf32, #tpu.memory_space<vmem>>, vector<1x16xf32>,
      %get3A_84 = vector.shape_cast %get3A_83 : vector<1x16xf32> to vector<16xf32>
      %sub3A_85 = arith.subf %get3A_80, %get3A_84 : vector<16xf32>
      %mul3A_86 = arith.mulf %sub3A_85, %sub3A_85 : vector<16xf32>
      %add3A_87 = arith.addf %add3A_76, %mul3A_86 : vector<16xf32>
      %get3A_88 = arith.index_cast %scan3A_22 : i32 to index
      %get3A_89 = arith.constant 96 : index
      %get3A_90 = tpu.vector_load %arg8[%get3A_88, %get3A_89] {strides = array<i32>} : memref<128x128xf32, #tpu.memory_space<vmem>>, vector<1x16xf32>,
      %get3A_91 = vector.shape_cast %get3A_90 : vector<1x16xf32> to vector<16xf32>
      %get3A_92 = arith.index_cast %scan3A_22 : i32 to index
      %get3A_93 = arith.constant 96 : index
      %get3A_94 = tpu.vector_load %arg7[%get3A_92, %get3A_93] {strides = array<i32>} : memref<128x128xf32, #tpu.memory_space<vmem>>, vector<1x16xf32>,
      %get3A_95 = vector.shape_cast %get3A_94 : vector<1x16xf32> to vector<16xf32>
      %sub3A_96 = arith.subf %get3A_91, %get3A_95 : vector<16xf32>
      %mul3A_97 = arith.mulf %sub3A_96, %sub3A_96 : vector<16xf32>
      %add3A_98 = arith.addf %add3A_87, %mul3A_97 : vector<16xf32>
      %get3A_99 = arith.index_cast %scan3A_22 : i32 to index
      %get3A_100 = arith.constant 112 : index
      %get3A_101 = tpu.vector_load %arg8[%get3A_99, %get3A_100] {strides = array<i32>} : memref<128x128xf32, #tpu.memory_space<vmem>>, vector<1x16xf32>,
      %get3A_102 = vector.shape_cast %get3A_101 : vector<1x16xf32> to vector<16xf32>
      %get3A_103 = arith.index_cast %scan3A_22 : i32 to index
      %get3A_104 = arith.constant 112 : index
      %get3A_105 = tpu.vector_load %arg7[%get3A_103, %get3A_104] {strides = array<i32>} : memref<128x128xf32, #tpu.memory_space<vmem>>, vector<1x16xf32>,
      %get3A_106 = vector.shape_cast %get3A_105 : vector<1x16xf32> to vector<16xf32>
      %sub3A_107 = arith.subf %get3A_102, %get3A_106 : vector<16xf32>
      %mul3A_108 = arith.mulf %sub3A_107, %sub3A_107 : vector<16xf32>
      %add3A_109 = arith.addf %add3A_98, %mul3A_108 : vector<16xf32>
      %jit3A = arith.constant 8 : i32
      %div3A = arith.divsi %scan3A_22, %jit3A : i32
      %sign3A = arith.constant 0 : i32
      %sign3A_110 = arith.cmpi sgt, %scan3A_22, %sign3A : i32
      %sign3A_111 = arith.extui %sign3A_110 : i1 to i32
      %sign3A_112 = arith.constant 0 : i32
      %sign3A_113 = arith.cmpi slt, %scan3A_22, %sign3A_112 : i32
      %sign3A_114 = arith.extui %sign3A_113 : i1 to i32
      %sign3A_115 = arith.subi %sign3A_111, %sign3A_114 : i32
      %sign3A_116 = arith.constant 0 : i32
      %sign3A_117 = arith.cmpi sgt, %jit3A, %sign3A_116 : i32
      %sign3A_118 = arith.extui %sign3A_117 : i1 to i32
      %sign3A_119 = arith.constant 0 : i32
      %sign3A_120 = arith.cmpi slt, %jit3A, %sign3A_119 : i32
      %sign3A_121 = arith.extui %sign3A_120 : i1 to i32
      %sign3A_122 = arith.subi %sign3A_118, %sign3A_121 : i32
      %ne3A = arith.cmpi ne, %sign3A_115, %sign3A_122 : i32
      %rem3A = arith.remsi %scan3A_22, %jit3A : i32
      %ne3A_123 = arith.constant 0 : i32
      %ne3A_124 = arith.cmpi ne, %rem3A, %ne3A_123 : i32
      %and3A = arith.andi %ne3A, %ne3A_124 : i1
      %sub3A_125 = arith.constant 1 : i32
      %sub3A_126 = arith.subi %div3A, %sub3A_125 : i32
      %select_n3A = arith.select %and3A, %sub3A_126, %div3A : i32
      %jit3A_127 = arith.constant 8 : i32
      %eq3A = arith.constant 0 : i32
      %eq3A_128 = arith.cmpi eq, %jit3A_127, %eq3A : i32
      %jit3A_129 = arith.constant 1 : i32
      %select_n3A_130 = arith.select %eq3A_128, %jit3A_129, %jit3A_127 : i32
      %rem3A_131 = arith.remsi %scan3A_22, %select_n3A_130 : i32
      %ne3A_132 = arith.constant 0 : i32
      %ne3A_133 = arith.cmpi ne, %rem3A_131, %ne3A_132 : i32
      %lt3A = arith.constant 0 : i32
      %lt3A_134 = arith.cmpi slt, %rem3A_131, %lt3A : i32
      %lt3A_135 = arith.constant 0 : i32
      %lt3A_136 = arith.cmpi slt, %select_n3A_130, %lt3A_135 : i32
      %ne3A_137 = arith.xori %lt3A_134, %lt3A_136 : i1
      %and3A_138 = arith.andi %ne3A_137, %ne3A_133 : i1
      %add3A_139 = arith.addi %rem3A_131, %select_n3A_130 : i32
      %select_n3A_140 = arith.select %and3A_138, %add3A_139, %rem3A_131 : i32
      %mul3A_141 = arith.constant 16 : i32
      %mul3A_142 = arith.muli %select_n3A_140, %mul3A_141 : i32
      %swap3A = arith.index_cast %select_n3A : i32 to index
      %swap3A_143 = arith.index_cast %mul3A_142 : i32 to index
      %swap3A_144 = tpu.vector_load %arg9[%swap3A, %swap3A_143] {strides = array<i32>} : memref<16x128xf32, #tpu.memory_space<vmem>>, vector<1x16xf32>,
      %swap3A_145 = vector.shape_cast %swap3A_144 : vector<1x16xf32> to vector<16xf32>
      %swap3A_146 = vector.shape_cast %add3A_109 : vector<16xf32> to vector<1x16xf32>
      tpu.vector_store %arg9[%swap3A, %swap3A_143], %swap3A_146 {strides = array<i32>} : memref<16x128xf32, #tpu.memory_space<vmem>>, vector<1x16xf32>,
    }
    %scan3A_19 = arith.constant 128 : i32
    %mul3A_20 = arith.constant 16 : i32
    %mul3A_21 = arith.muli %add3A, %mul3A_20 : i32
    "tpu.region"() ({
      %run_scoped3A = tpu.sem_alloc : memref<!tpu.dma_semaphore, #tpu.memory_space<semaphore_mem>>
      %dma_start3A_22 = arith.constant 0 : i32
      %dma_start3A_23 = tpu.memref_slice %arg5[%mul3A_21, %dma_start3A_22] : memref<512x128xf32, #tpu.memory_space<hbm>> -> memref<16x128xf32, #tpu.memory_space<hbm>>
      %dma_start3A_24 = arith.constant 0 : i32
      %dma_start3A_25 = tpu.memref_slice %arg5[%mul3A_21, %dma_start3A_24] : memref<512x128xf32, #tpu.memory_space<hbm>> -> memref<16x128xf32, #tpu.memory_space<hbm>>
      tpu.enqueue_dma source(%arg9 : memref<16x128xf32, #tpu.memory_space<vmem>>) target(%dma_start3A_25 : memref<16x128xf32, #tpu.memory_space<hbm>>) target_semaphore(%run_scoped3A : memref<!tpu.dma_semaphore, #tpu.memory_space<semaphore_mem>>)
      %dma_wait3A_26 = arith.constant 0 : i32
      %dma_wait3A_27 = tpu.memref_slice %arg5[%mul3A_21, %dma_wait3A_26] : memref<512x128xf32, #tpu.memory_space<hbm>> -> memref<16x128xf32, #tpu.memory_space<hbm>>
      %dma_wait3A_28 = arith.constant 0 : i32
      %dma_wait3A_29 = tpu.memref_slice %arg5[%mul3A_21, %dma_wait3A_28] : memref<512x128xf32, #tpu.memory_space<hbm>> -> memref<16x128xf32, #tpu.memory_space<hbm>>
      tpu.wait_dma2 semaphore(%run_scoped3A : memref<!tpu.dma_semaphore, #tpu.memory_space<semaphore_mem>>) src(%arg9 : memref<16x128xf32, #tpu.memory_space<vmem>>) dst(%dma_wait3A_29 : memref<16x128xf32, #tpu.memory_space<hbm>>)
      tpu.yield
    }) : () -> ()
    return
  }
}

module attributes {stable_mosaic.version = 14 : i64} {
  func.func @_tc_finish_body(%arg0: memref<512x128xf32, #tpu.memory_space<vmem>>, %arg1: memref<1x1xf32, #tpu.memory_space<smem>>) attributes {dimension_semantics = [], scalar_prefetch = 0 : i64, scratch_operands = 0 : i64, tpu.core_type = #tpu.core_type<tc>} {
    %get3A = arith.constant 0 : index
    %get3A_0 = arith.constant 0 : index
    %get3A_1 = vector.load %arg0[%get3A, %get3A_0] : memref<512x128xf32, #tpu.memory_space<vmem>>, vector<512x128xf32>
    %iota3A = tpu.iota {dimensions = array<i32: 0>} : vector<128x8xi32>
    %iota3A_2 = tpu.iota {dimensions = array<i32: 1>} : vector<128x8xi32>
    %jit3A = arith.constant 16 : i32
    %div3A = vector.broadcast %jit3A : i32 to vector<128x8xi32>
    %div3A_3 = arith.divsi %iota3A, %div3A : vector<128x8xi32>
    %sign3A = arith.constant 0 : i32
    %sign3A_4 = vector.broadcast %sign3A : i32 to vector<128x8xi32>
    %sign3A_5 = arith.cmpi sgt, %iota3A, %sign3A_4 : vector<128x8xi32>
    %sign3A_6 = arith.extui %sign3A_5 : vector<128x8xi1> to vector<128x8xi32>
    %sign3A_7 = arith.constant 0 : i32
    %sign3A_8 = vector.broadcast %sign3A_7 : i32 to vector<128x8xi32>
    %sign3A_9 = arith.cmpi slt, %iota3A, %sign3A_8 : vector<128x8xi32>
    %sign3A_10 = arith.extui %sign3A_9 : vector<128x8xi1> to vector<128x8xi32>
    %sign3A_11 = arith.subi %sign3A_6, %sign3A_10 : vector<128x8xi32>
    %sign3A_12 = arith.constant 0 : i32
    %sign3A_13 = arith.cmpi sgt, %jit3A, %sign3A_12 : i32
    %sign3A_14 = arith.extui %sign3A_13 : i1 to i32
    %sign3A_15 = arith.constant 0 : i32
    %sign3A_16 = arith.cmpi slt, %jit3A, %sign3A_15 : i32
    %sign3A_17 = arith.extui %sign3A_16 : i1 to i32
    %sign3A_18 = arith.subi %sign3A_14, %sign3A_17 : i32
    %ne3A = vector.broadcast %sign3A_18 : i32 to vector<128x8xi32>
    %ne3A_19 = arith.cmpi ne, %sign3A_11, %ne3A : vector<128x8xi32>
    %rem3A = vector.broadcast %jit3A : i32 to vector<128x8xi32>
    %rem3A_20 = arith.remsi %iota3A, %rem3A : vector<128x8xi32>
    %ne3A_21 = arith.constant 0 : i32
    %ne3A_22 = vector.broadcast %ne3A_21 : i32 to vector<128x8xi32>
    %ne3A_23 = arith.cmpi ne, %rem3A_20, %ne3A_22 : vector<128x8xi32>
    %and3A = arith.andi %ne3A_19, %ne3A_23 : vector<128x8xi1>
    %sub3A = arith.constant 1 : i32
    %sub3A_24 = vector.broadcast %sub3A : i32 to vector<128x8xi32>
    %sub3A_25 = arith.subi %div3A_3, %sub3A_24 : vector<128x8xi32>
    %select_n3A = arith.select %and3A, %sub3A_25, %div3A_3 : vector<128x8xi1>, vector<128x8xi32>
    %eq3A = arith.cmpi eq, %select_n3A, %iota3A_2 : vector<128x8xi32>
    %convert_element_type3A = arith.extui %eq3A : vector<128x8xi1> to vector<128x8xi32>
    %convert_element_type3A_26 = arith.sitofp %convert_element_type3A : vector<128x8xi32> to vector<128x8xf32>
    %dot_general3A = arith.constant dense<0.000000e+00> : vector<512x8xf32>
    %dot_general3A_27 = tpu.matmul %get3A_1, %convert_element_type3A_26, %dot_general3A {dimension_numbers = #tpu.dot_dimension_numbers<[1], [0], [0], [1], [0, 0, 1, 1], [], []>, transpose_lhs_hint = false} : vector<512x128xf32>, vector<128x8xf32>, vector<512x8xf32> -> vector<512x8xf32>
    %sqrt3A = math.sqrt %dot_general3A_27 : vector<512x8xf32>
    %reduce_sum3A = vector.shape_cast %sqrt3A : vector<512x8xf32> to vector<1x512x8xf32>
    %reduce_sum3A_28 = arith.constant dense<0.000000e+00> : vector<1xf32>
    %reduce_sum3A_29 = vector.multi_reduction <add>, %reduce_sum3A, %reduce_sum3A_28 [1, 2] : vector<1x512x8xf32> to vector<1xf32>
    %reduce_sum3A_30 = vector.shape_cast %reduce_sum3A_29 : vector<1xf32> to vector<1x1x1xf32>
    %reduce_sum3A_31 = vector.extract %reduce_sum3A_30[0, 0, 0] : f32 from vector<1x1x1xf32>
    %mul3A = arith.constant 1.22070318E-7 : f32
    %mul3A_32 = arith.mulf %reduce_sum3A_31, %mul3A : f32
    %swap3A = arith.constant 0 : index
    %swap3A_33 = arith.constant 0 : index
    %swap3A_34 = memref.load %arg1[%swap3A, %swap3A_33] : memref<1x1xf32, #tpu.memory_space<smem>>
    memref.store %mul3A_32, %arg1[%swap3A, %swap3A_33] : memref<1x1xf32, #tpu.memory_space<smem>>
    return
  }
}

</mosaic_0001>

<sc_bundles>
// kernel: _impl.4.cloned.1.call-start
scs
__scs_entry_jumppad:
0x0: {  	(pc) =	sbr.rel $0x88, $3  }
0x1: {  	(tag) =	ssettag $0x0;
	lr =	simm.s32 $0x1  }
0x2: {  	[smem:$0x3F9E] =	sst lr;
	_ =	strace $0xD0000000  }
0x3: {  	_ = 	snop  }
0x4: {  	_ = 	snop  }
0x5: {  	_ = 	snop  }
0x6: {  	_ = 	snop  }
0x7: {  	_ = 	snop  }
__scs_overlays_trampoline_lowered:
0x8: {  	[smem:$0x3FAD] =	sst s0  }
0x9: {  	[smem:$0x3FAE] =	sst s1  }
0xa: {  	[smem:$0x3FAF] =	sst s2  }
0xb: {  	[smem:$0x3FB0] =	sst s3  }
0xc: {  	[smem:$0x3FB1] =	sst s4  }
0xd: {  	[smem:$0x3FB2] =	sst s5  }
0xe: {  	[smem:$0x3FB3] =	sst s6  }
0xf: {  	[smem:$0x3FB4] =	sst s7  }
0x10: {  	[smem:$0x3FB5] =	sst s8  }
0x11: {  	[smem:$0x3FB6] =	sst s9;
	s0 =	simm.s32 @!p0 $0x0  }
0x12: {  	s1 =	sld [smem:$0x3F9C];
	s0 =	simm.s32 @p0 $0x1  }
0x13: {  	[smem:$0x3FB7] =	sst s0;
	s0 =	simm.s32 @!p1 $0x0  }
0x14: {  	s2 =	sld [smem:$0x3F9B];
	s0 =	simm.s32 @p1 $0x1  }
0x15: {  	[smem:$0x3FB8] =	sst s0;
	s0 =	simm.s32 @!p2 $0x0  }
0x16: {  	s3 =	sld [smem:$0x3FDB];
	s0 =	simm.s32 @p2 $0x1  }
0x17: {  	s4 =	simm.s32 $0x1BF5;
	[smem:$0x3FBA] =	sst s0  }
0x18: {  	s0 =	sld [smem:$0x3F9D];
	_ =	swait.ge [sflag:s4], $0x0  }
0x19: {  	s7 =	sld [smem:$0x3F9E]  }
0x1a: {  	s8 =	sadd.s32 $0xFFFFE003, lr  }
0x1b: {  	s9 =	sadd.s32 $0xFFFFFEF7, lr;
	s5 =	simm.s32 $0xFFFFFFFF;
	p2 =	slt.u32 s8, $0xFFFFF086  }
0x1c: {  	p1 =	slt.u32 s9, $0xF7A;
	s5 =	simm.s32 @!p2 $0x0  }
0x1d: {  	s5 =	simm.s32 @p1 $0x1;
	p0 =	seq.s32 s7, s2  }
0x1e: {  	s7 =	smul.u32 @!p0 $0xF7A, s2;
	p2 =	seq.s32 @!p0 s5, $0x0  }
0x1f: {  	s9 =	smul.u32 $0xF7A, s1;
	s8 =	simm.s32 @!p0 $0x1BF5;
	p2 =	por !p2, p0  }
0x20: {  	[sflag:s8] =	ssyncset.s32 @!p0 $0xFFFFF086;
	s6 =	sadd.s32 @!p0 s3, s7;
	s7 =	simm.s32 @!p0 $0x108  }
0x21: {  	s3 =	sadd.s32 s3, s9;
	s6 =	sadd.s32 @!p0 $0x88, s6;
	s7 =	simm.s32 @p2 $0x1082  }
0x22: {  	[simem:s7], [sflag:s8] =	dma.local @!p0 [hbm:s6], $0xF7A  }
0x23: {  	s9 =	sor.u32 $0xD0000000, s2;
	s6 =	simm.s32 $0x108;
	_ =	swait.ge @!p0 [sflag:s8], $0x0  }
0x24: {  	s3 =	sadd.s32 $0x88, s3;
	s6 =	simm.s32 @!p1 $0x1082;
	[sflag:s4] =	ssyncset.s32 $0xFFFFF086  }
0x25: {  	[simem:s6], [sflag:s4] =	dma.local [hbm:s3], $0xF7A  }
0x26: {  	[smem:$0x3F9E] =	sst s1;
	(tag) =	ssettag s2;
	_ =	strace s9  }
0x27: {  	s1 =	sld [smem:$0x3FAE]  }
0x28: {  	s2 =	sld [smem:$0x3FAF]  }
0x29: {  	s4 =	sld [smem:$0x3FB1]  }
0x2a: {  	p0 =	seq.s32 s5, $0x0;
	s5 =	sld [smem:$0x3FB2]  }
0x2b: {  	s6 =	sld [smem:$0x3FB3]  }
0x2c: {  	s7 =	sld [smem:$0x3FB4]  }
0x2d: {  	s3 =	simm.s32 $0x108;
	s8 =	sld [smem:$0x3FB5]  }
0x2e: {  	s3 =	simm.s32 @!p0 $0x1082;
	s9 =	sld [smem:$0x3FB6]  }
0x2f: {  	lr =	sadd.s32 s0, s3;
	s0 =	sld [smem:$0x3FAD]  }
0x30: {  	s3 =	sld [smem:$0x3FB0]  }
0x31: {  	[smem:$0x3FB9] =	sst s10  }
0x32: {  	s10 =	sld [smem:$0x3FB7];
	_ =	sdelay $0x3  }
0x33: {  	p0 =	seq.s32 s10, $0x1;
	s10 =	sld [smem:$0x3FB9];
	_ =	sdelay $0x3  }
0x34: {  	[smem:$0x3FB9] =	sst s10  }
0x35: {  	s10 =	sld [smem:$0x3FB8];
	_ =	sdelay $0x3  }
0x36: {  	p1 =	seq.s32 s10, $0x1;
	s10 =	sld [smem:$0x3FB9];
	_ =	sdelay $0x3  }
0x37: {  	[smem:$0x3FB9] =	sst s10  }
0x38: {  	s10 =	sld [smem:$0x3FBA]  }
0x39: {  	_ = 	snop;
	(pc) =	sbr.ind lr, $3  }
0x3a: {  	_ = 	snop  }
0x3b: {  	_ = 	snop  }
0x3c: {  	p2 =	seq.s32 s10, $0x1;
	s10 =	sld [smem:$0x3FB9]  }
0x3d: {  	_ =	shalt  }
0x3e: {  	_ =	shalt  }
0x3f: {  	_ =	shalt  }
0x40: {  	_ =	shalt  }
0x41: {  	_ =	shalt  }
0x42: {  	_ =	shalt  }
0x43: {  	_ =	shalt  }
0x44: {  	_ =	shalt  }
0x45: {  	_ =	shalt  }
0x46: {  	_ =	shalt  }
0x47: {  	_ =	shalt  }
0x48: {  	_ =	shalt  }
0x49: {  	_ =	shalt  }
0x4a: {  	_ =	shalt  }
0x4b: {  	_ =	shalt  }
0x4c: {  	_ =	shalt  }
0x4d: {  	_ =	shalt  }
0x4e: {  	_ =	shalt  }
0x4f: {  	_ =	shalt  }
0x50: {  	_ =	shalt  }
0x51: {  	_ =	shalt  }
0x52: {  	_ =	shalt  }
0x53: {  	_ =	shalt  }
0x54: {  	_ =	shalt  }
0x55: {  	_ =	shalt  }
0x56: {  	_ =	shalt  }
0x57: {  	_ =	shalt  }
0x58: {  	_ =	shalt  }
0x59: {  	_ =	shalt  }
0x5a: {  	_ =	shalt  }
0x5b: {  	_ =	shalt  }
0x5c: {  	_ =	shalt  }
0x5d: {  	_ =	shalt  }
0x5e: {  	_ =	shalt  }
0x5f: {  	_ =	shalt  }
0x60: {  	_ =	shalt  }
0x61: {  	_ =	shalt  }
0x62: {  	_ =	shalt  }
0x63: {  	_ =	shalt  }
0x64: {  	_ =	shalt  }
0x65: {  	_ =	shalt  }
0x66: {  	_ =	shalt  }
0x67: {  	_ =	shalt  }
0x68: {  	_ =	shalt  }
0x69: {  	_ =	shalt  }
0x6a: {  	_ =	shalt  }
0x6b: {  	_ =	shalt  }
0x6c: {  	_ =	shalt  }
0x6d: {  	_ =	shalt  }
0x6e: {  	_ =	shalt  }
0x6f: {  	_ =	shalt  }
0x70: {  	_ =	shalt  }
0x71: {  	_ =	shalt  }
0x72: {  	_ =	shalt  }
0x73: {  	_ =	shalt  }
0x74: {  	_ =	shalt  }
0x75: {  	_ =	shalt  }
0x76: {  	_ =	shalt  }
0x77: {  	_ =	shalt  }
0x78: {  	_ =	shalt  }
0x79: {  	_ =	shalt  }
0x7a: {  	_ =	shalt  }
0x7b: {  	_ =	shalt  }
0x7c: {  	_ =	shalt  }
0x7d: {  	_ =	shalt  }
0x7e: {  	_ =	shalt  }
0x7f: {  	_ =	shalt  }
0x80: {  	_ =	shalt  }
0x81: {  	_ =	shalt  }
0x82: {  	_ =	shalt  }
0x83: {  	_ =	shalt  }
0x84: {  	_ =	shalt  }
0x85: {  	_ =	shalt  }
0x86: {  	_ =	shalt  }
0x87: {  	_ =	shalt  }
.Lfunc_end0:
.L_simem_size_0:
called_computation_lowered:
.L_overlay_start_0:
0x88: {  	s2 =	sld [smem:$0x3FD9]  }
0x89: {  	s3 =	sld [smem:$0x3FFE];
	_ =	sdelay $0x1  }
0x8a: {  	s1 =	srdreg.scid  }
0x8b: {  	s0 =	sand.u32 $0x1, s1  }
0x8c: {  	s17 =	sshll.u32 s0, $0xA;
	s2 =	sadd.s32 s3, s2  }
0x8d: {  	s2 =	sadd.s32 s2, s17  }
0x8e: {  	[smem:$0x3FC5] =	sst s2  }
0x8f: {  	_ = 	snop  }
0x90: {  	s2 =	sld [smem:$0x3FC9]  }
0x91: {  	s18 =	sld [smem:$0x3FC8]  }
0x92: {  	s4 =	sld [smem:$0x3FC7];
	(tm) =	ssettm $0x1  }
0x93: {  	s5 =	sld [smem:$0x3FFB];
	_ =	sdelay $0x3  }
0x94: {  	_ =	strace s5  }
0x95: {  	s5 =	sld [smem:$0x3FFC];
	_ =	sdelay $0x3  }
0x96: {  	_ =	strace s5  }
0x97: {  	s5 =	sld [smem:$0x3FFD];
	_ =	sdelay $0x3  }
0x98: {  	_ =	strace s5  }
0x99: {  	_ =	strace $0x8FFFFFFF  }
0x9a: {  	s19 =	sld [smem:$0x3FDB];
	_ =	sdelay $0x1  }
0x9b: {  	s6 =	simm.s32 $_scs_section_size  }
0x9c: {  	s7 =	simm.s32 $_size__tile_overlayer_lowered;
	s8 =	simm.s32 $_tile_overlayer_lowered  }
0x9d: {  	s22 =	simm.s32 $0x1BFF;
	s21 =	sshll.u32 s8, $0x1;
	s5 =	sadd.s32 s6, s19  }
0x9e: {  	s9 =	simm.s32 $0x0;
	s20 =	sshll.u32 s7, $0x1;
	s7 =	sadd.s32 s21, s5  }
0x9f: {  	[timem:s9], [sflag:s22] =	dma.local [hbm:s7], s20  }
0xa0: {  	_ =	swait.ge [sflag:s22], s20  }
0xa1: {  	s6 =	ssub.s32 $0x0, s20;
	[sflag:s22] =	ssyncset.done $0x0  }
0xa2: {  	[sflag:s22] =	ssyncadd.s32 s6;
	_ =	sdelay $0x1  }
0xa3: {  	s23 =	simm.s32 $0x1B8B  }
0xa4: {  	_ =	swait.ge [sflag:s23], $0x1  }
0xa5: {  	[sflag:s23] =	ssyncset.done $0x0  }
0xa6: {  	s25 =	simm.s32 $0x1B8E;
	s24 =	sld [smem:$0x3FFE];
	[sflag:s23] =	ssyncadd.s32 $0xFFFFFFFF  }
0xa7: {  	s26 =	simm.s32 $execute0_lowered;
	[smem:$0x3FD2] =	sst s25  }
0xa8: {  	s7 =	sshll.u32 s26, $0x1;
	_ =	strace $0x80000046;
	[dreg:$0x1] =	wrdreg $0xFFFFFFFF  }
0xa9: {  	s28 =	simm.s32 $_size_execute0_lowered;
	s5 =	sadd.s32 s5, s7;
	[dreg:$0x0] =	wrdreg $0x0  }
0xaa: {  	s7 =	sshll.u32 s28, $0x1;
	[dreg:$0x2] =	wrdreg s5  }
0xab: {  	[dreg:$0x3] =	wrdreg s7  }
0xac: {  	[dreg:$0x4] =	wrdreg $0xC0  }
0xad: {  	_ =	task [dreg:s9], $0x5FFFF  }
0xae: {  	[dreg:$0x1] =	wrdreg $0xFFFFFFFF  }
0xaf: {  	[dreg:$0x0] =	wrdreg $0x60  }
0xb0: {  	[dreg:$0x2] =	wrdreg s2  }
0xb1: {  	[dreg:$0x3] =	wrdreg s18  }
0xb2: {  	[dreg:$0x4] =	wrdreg s4  }
0xb3: {  	[dreg:$0x5] =	wrdreg s24  }
0xb4: {  	[dreg:$0x6] =	wrdreg $0x9  }
0xb5: {  	_ =	task.clear_ibuf [dreg:s9], $0x7FFFF;
	_ =	strace $0x90000046  }
0xb6: {  	s29 =	simm.s32 $0x9;
	_ =	strace $0x80000048  }
0xb7: {  	_ =	swait.ge [sflag:s29], $0x1  }
0xb8: {  	[sflag:s29] =	ssyncadd.s32 $0xFFFFFFFF  }
0xb9: {  	_ =	strace $0x90000048  }
0xba: {  	_ =	sfence  }
0xbb: {  	s30 =	sld [smem:$0x0];
	_ =	sdelay $0x2  }
0xbc: {  	s31 =	sshll.u32 s1, $0xD;
	s1 =	sshrl.u32 s1, $0x2  }
0xbd: {  	s3 =	sand.u32 $0x4000, s31;
	s1 =	sadd.s32 s1, s30  }
0xbe: {  	s0 =	sor.u32 s3, s0;
	s1 =	sshll.u32 s1, $0x11  }
0xbf: {  	s0 =	sor.u32 s1, s0  }
0xc0: {  	s0 =	sadd.s32 $0x8F2B, s0  }
0xc1: {  	[sflag:s0] =	ssyncadd.remote.s32 $0x1  }
0xc2: {  	_ =	sfence.sel $0xFFFF  }
0xc3: {  	[dreg:$0x0] =	wrdreg $0xFFFFFFFF;
	(pc) =	sbr.abs _section_cstart, $3  }
0xc4: {  	[dreg:$0x1] =	wrdreg $0xFFFFFFFF  }
0xc5: {  	_ =	task.clear_ibuf [dreg:s9], $0x2FFFF;
	_ =	strace $0x9FFFFFFF  }
0xc6: {  	(tm) =	ssettm $0x7FFFFFFF  }
0xc7: {  	_ =	shalt  }
tec
execute0_lowered:
.L_overlay_start_1:
0x0: {  	(tag) =	ssettag $0x1  }
0x1: {  	s5 =	rddreg [dreg:$0x0]  }
0x2: {  	s4 =	rddreg [dreg:$0x1]  }
0x3: {  	s2 =	rddreg [dreg:$0x2];
	s1 =	srdreg.scid  }
0x4: {  	s0 =	stileid.u32;
	s6 =	rddreg [dreg:$0x3];
	s3 =	simm.s32 $0x0  }
0x5: {  	s11 =	simm.s32 $0x1;
	s12 =	simm.s32 $0x2;
	s13 =	simm.s32 $0x8080  }
0x6: {  	s7 =	sand.u32 $0x1, s1;
	s8 =	sshll.u32 s0, $0x1;
	s1 =	rddreg [dreg:$0x4]  }
0x7: {  	s14 =	simm.s32 $0x0;
	[smem:$0x7FF] =	sst s3;
	s8 =	sor.u32 s7, s8  }
0x8: {  	_ =	strace $0x80000047;
	s7 =	ssub.s32 $0x2, s7;
	s9 =	sshll.u32 s8, $0x8  }
0x9: {  	s31 =	sshrl.u32 s7, $0x1;
	s10 =	sshll.u32 s8, $0x4;
	s8 =	sshll.u32 s8, $0xB  }
0xa: {  	s6 =	sadd.s32 s9, s6;
	s7 =	ssub.s32 s7, s31;
	s4 =	sadd.s32 s4, s10  }
0xb: {  	s5 =	sadd.s32 s5, s8;
	s8 =	simm.s32 $0x3;
	s9 =	simm.s32 $0x80  }
0xc: {  	s10 =	simm.s32 $0x4080;
	s6 =	sadd.s32 $0x600, s6;
	s7 =	smax.u32 s7, $0x1  }
.LBB2_1:
0xd: {  	[tilespmem:s3], [sflag:$0x3] =	stream.linear.gather [hbm4b:s4+s3], $0x80, $0x38;
	[tilespmem:$0x8880] =	vst v63  }
0xe: {  	_ =	swait.ge [sflag:s8], $0x80  }
0xf: {  	[sflag:s8] =	ssyncset.done $0x0  }
0x10: {  	[sflag:s8] =	ssyncadd.s32 $0xFFFFFF80  }
0x11: {  	[tilespmem:s9], [sflag:$0x1] =	stream.indirect.gather [hbm4b:s2+s9], $0x80, s3, s9, $0xb8;
	[tilespmem:$0x8880] =	vst v63  }
0x12: {  	_ = 	snop  }
0x13: {  	[tilespmem:s10], [sflag:$0x2] =	stream.linear.gather [hbm4b:s5+s3], $0x4000, $0x38;
	[tilespmem:$0x8880] =	vst v63  }
0x14: {  	_ =	swait.ge [sflag:s11], $0x4000  }
0x15: {  	[sflag:s11] =	ssyncset.done $0x0  }
0x16: {  	[sflag:s11] =	ssyncadd.s32 $0xFFFFC000  }
0x17: {  	_ =	swait.ge [sflag:s12], $0x4000  }
0x18: {  	[sflag:s12] =	ssyncset.done $0x0  }
0x19: {  	s15 =	simm.s32 $0xC0;
	[sflag:s12] =	ssyncadd.s32 $0xFFFFC000  }
0x1a: {  	s16 =	simm.s32 $0x40C0;
	v0 =	vld [tilespmem:s15+$0xFFFFFFC0]  }
0x1b: {  	v1 =	vld [tilespmem:s16+$0xFFFFFFC0]  }
0x1c: {  	v2 =	vld [tilespmem:s16+$0xFFFFFFD0]  }
0x1d: {  	v3 =	vld [tilespmem:s15+$0xFFFFFFD0]  }
0x1e: {  	v4 =	vld [tilespmem:s16+$0xFFFFFFE0]  }
0x1f: {  	v5 =	vld [tilespmem:s15+$0xFFFFFFE0]  }
0x20: {  	v6 =	vld [tilespmem:s16+$0xFFFFFFF0]  }
0x21: {  	v7 =	vld [tilespmem:s15+$0xFFFFFFF0]  }
0x22: {  	v0 =	vsub.f32 v1, v0;
	v1 =	vsub.f32 v2, v3;
	v2 =	vld [tilespmem:s16+$0x0]  }
0x23: {  	v3 =	vld [tilespmem:s15+$0x0]  }
0x24: {  	v8 =	vld [tilespmem:s15+$0x10];
	v4 =	vsub.f32 v4, v5;
	v0 =	vmul.f32 v0, v0;
	v1 =	vmul.f32 v1, v1  }
0x25: {  	v5 =	vld [tilespmem:s16+$0x10]  }
0x26: {  	v62 =	vld [tilespmem:s16+$0x20];
	v0 =	vadd.f32 v1, v0;
	v1 =	vmul.f32 v4, v4;
	v4 =	vsub.f32 v6, v7  }
0x27: {  	v63 =	vld [tilespmem:s15+$0x20]  }
0x28: {  	v2 =	vsub.f32 v2, v3;
	v3 =	vld [tilespmem:s16+$0x30];
	v0 =	vadd.f32 v1, v0;
	v1 =	vmul.f32 v4, v4  }
0x29: {  	v4 =	vld [tilespmem:s15+$0x30]  }
0x2a: {  	v0 =	vadd.f32 v1, v0;
	v1 =	vmul.f32 v2, v2;
	v2 =	vsub.f32 v5, v8;
	_ =	sdelay $0x1  }
0x2b: {  	v0 =	vadd.f32 v1, v0;
	v1 =	vmul.f32 v2, v2;
	v2 =	vsub.f32 v62, v63;
	_ =	sdelay $0x1  }
0x2c: {  	v0 =	vadd.f32 v1, v0;
	v1 =	vmul.f32 v2, v2;
	v2 =	vsub.f32 v3, v4;
	_ =	sdelay $0x1  }
0x2d: {  	v0 =	vadd.f32 v1, v0;
	v1 =	vmul.f32 v2, v2  }
0x2e: {  	s30 =	sand.u32 $0x1E00, s3  }
0x2f: {  	s31 =	sand.u32 $0x70, s3;
	s15 =	sshrl.u32 s30, $0x2;
	v0 =	vadd.f32 v1, v0  }
0x30: {  	s15 =	sor.u32 s31, s15  }
0x31: {  	s17 =	simm.s32 $0x140;
	[tilespmem:s15+$0x8080] =	vst v0  }
0x32: {  	s18 =	simm.s32 $0x4140;
	v0 =	vld [tilespmem:s17+$0xFFFFFFC0]  }
0x33: {  	v1 =	vld [tilespmem:s18+$0xFFFFFFC0]  }
0x34: {  	v2 =	vld [tilespmem:s18+$0xFFFFFFD0]  }
0x35: {  	s19 =	simm.s32 $0x80;
	s16 =	simm.s32 $0x0;
	s15 =	simm.s32 $0x40;
	v3 =	vld [tilespmem:s17+$0xFFFFFFD0]  }
.LBB2_2:
0x36: {  	p0 =	sne.s32 s19, $0x1FC0;
	v4 =	vld [tilespmem:s18+$0xFFFFFFE0]  }
0x37: {  	v5 =	vld [tilespmem:s17+$0xFFFFFFE0]  }
0x38: {  	v6 =	vld [tilespmem:s18+$0xFFFFFFF0]  }
0x39: {  	v7 =	vld [tilespmem:s17+$0xFFFFFFF0]  }
0x3a: {  	v0 =	vsub.f32 v1, v0;
	v1 =	vsub.f32 v2, v3;
	v2 =	vld [tilespmem:s18+$0x0]  }
0x3b: {  	v3 =	vld [tilespmem:s17+$0x0]  }
0x3c: {  	v0 =	vmul.f32 v0, v0;
	v1 =	vmul.f32 v1, v1;
	v4 =	vsub.f32 v4, v5;
	v5 =	vld [tilespmem:s18+$0x10]  }
0x3d: {  	v8 =	vld [tilespmem:s17+$0x10]  }
0x3e: {  	v0 =	vadd.f32 v1, v0;
	v1 =	vmul.f32 v4, v4;
	v4 =	vsub.f32 v6, v7;
	v6 =	vld [tilespmem:s18+$0x20]  }
0x3f: {  	v7 =	vld [tilespmem:s17+$0x20]  }
0x40: {  	v0 =	vadd.f32 v1, v0;
	v1 =	vmul.f32 v4, v4;
	v2 =	vsub.f32 v2, v3;
	v3 =	vld [tilespmem:s18+$0x30]  }
0x41: {  	v4 =	vld [tilespmem:s17+$0x30]  }
0x42: {  	v0 =	vadd.f32 v1, v0;
	v1 =	vmul.f32 v2, v2;
	v2 =	vsub.f32 v5, v8;
	_ =	sdelay $0x1  }
0x43: {  	v0 =	vadd.f32 v1, v0;
	v1 =	vmul.f32 v2, v2;
	v2 =	vsub.f32 v6, v7;
	_ =	sdelay $0x1  }
0x44: {  	v0 =	vadd.f32 v1, v0;
	v1 =	vmul.f32 v2, v2;
	v2 =	vsub.f32 v3, v4;
	_ =	sdelay $0x1  }
0x45: {  	v0 =	vadd.f32 v1, v0;
	v1 =	vmul.f32 v2, v2  }
0x46: {  	s20 =	sand.u32 $0x1E00, s15;
	s16 =	sadd.s32 $0x10, s16;
	s15 =	smov.u32 s19  }
0x47: {  	s21 =	sand.u32 $0x70, s16;
	s20 =	sshrl.u32 s20, $0x2;
	v0 =	vadd.f32 v1, v0  }
0x48: {  	s20 =	sor.u32 s21, s20  }
.Ltmp0:
0x49: {  	s17 =	sadd.s32 $0x80, s17;
	[tilespmem:s20+$0x8080] =	vst v0;
	(pc) =	sbr.rel @p0 .LBB2_2-.Ltmp0, $4  }
0x4a: {  	s18 =	sadd.s32 $0x80, s18;
	v0 =	vld [tilespmem:s17+$0xFFFFFFC0]  }
0x4b: {  	v1 =	vld [tilespmem:s18+$0xFFFFFFC0]  }
0x4c: {  	v2 =	vld [tilespmem:s18+$0xFFFFFFD0]  }
0x4d: {  	s19 =	sadd.s32 $0x40, s19;
	v3 =	vld [tilespmem:s17+$0xFFFFFFD0]  }
0x4e: {  	v4 =	vld [tilespmem:s18+$0xFFFFFFE0]  }
0x4f: {  	v5 =	vld [tilespmem:s17+$0xFFFFFFE0]  }
0x50: {  	v6 =	vld [tilespmem:s18+$0xFFFFFFF0]  }
0x51: {  	v7 =	vld [tilespmem:s17+$0xFFFFFFF0]  }
0x52: {  	v47 =	vld [tilespmem:s18+$0x0];
	v0 =	vsub.f32 v1, v0;
	v46 =	vsub.f32 v2, v3  }
0x53: {  	v48 =	vld [tilespmem:s17+$0x0]  }
0x54: {  	v49 =	vld [tilespmem:s18+$0x10];
	v0 =	vmul.f32 v0, v0;
	v4 =	vsub.f32 v4, v5;
	v1 =	vmul.f32 v46, v46  }
0x55: {  	v8 =	vld [tilespmem:s17+$0x10]  }
0x56: {  	v52 =	vld [tilespmem:s18+$0x20];
	v51 =	vsub.f32 v6, v7;
	v50 =	vmul.f32 v4, v4;
	v0 =	vadd.f32 v1, v0  }
0x57: {  	v53 =	vld [tilespmem:s17+$0x20]  }
0x58: {  	v55 =	vld [tilespmem:s18+$0x30];
	v2 =	vsub.f32 v47, v48;
	v54 =	vmul.f32 v51, v51;
	v0 =	vadd.f32 v50, v0  }
0x59: {  	v56 =	vld [tilespmem:s17+$0x30]  }
0x5a: {  	v58 =	vsub.f32 v49, v8;
	v57 =	vmul.f32 v2, v2;
	v0 =	vadd.f32 v54, v0;
	_ =	sdelay $0x1  }
0x5b: {  	v60 =	vsub.f32 v52, v53;
	v59 =	vmul.f32 v58, v58;
	v0 =	vadd.f32 v57, v0;
	_ =	sdelay $0x1  }
0x5c: {  	v62 =	vsub.f32 v55, v56;
	v61 =	vmul.f32 v60, v60;
	v0 =	vadd.f32 v59, v0;
	_ =	sdelay $0x1  }
0x5d: {  	v63 =	vmul.f32 v62, v62;
	v0 =	vadd.f32 v61, v0  }
0x5e: {  	s15 =	sand.u32 $0x1E00, s15;
	s16 =	sadd.s32 $0x10, s16  }
0x5f: {  	s14 =	sadd.s32 $0x1, s14;
	s16 =	sand.u32 $0x70, s16;
	s15 =	sshrl.u32 s15, $0x2;
	v0 =	vadd.f32 v63, v0  }
0x60: {  	p0 =	sne.s32 s14, s7;
	s15 =	sor.u32 s16, s15  }
.Ltmp1:
0x61: {  	[tilespmem:s15+$0x8080] =	vst v0;
	(pc) =	sbr.rel @p0 .LBB2_1-.Ltmp1, $4  }
0x62: {  	[hbm4b:s6+s3] =	stream.linear.scatter [tilespmem:s13], [sflag:$0x3], $0x800, $0x38;
	[tilespmem:$0x8880] =	vst v63  }
0x63: {  	_ =	swait.ge [sflag:s8], $0x800  }
0x64: {  	[sflag:s8] =	ssyncset.done $0x0  }
0x65: {  	[sflag:s8] =	ssyncadd.s32 $0xFFFFF800  }
0x66: {  	_ =	sfence.sel $0x180000  }
0x67: {  	[bflag:$0x0] =	sbarrier.arrive $0xFFFF  }
0x68: {  	p0 =	sne.s32 s0, $0x0;
	_ =	strace $0x90000047  }
0x69: {  	s0 =	sadd.s32 @!p0 $0x100000, s1;
	[bflag:$0x2] =	sbarrier.arrive $0xFFFF  }
0x6a: {  	[sflag:s0] =	ssyncadd.tile.s32 @!p0 $0x1;
	_ =	shalt  }
.Lfunc_end2:
_tile_overlayer_lowered:
.L_overlay_start_2:
0x6b: {  	(tag) =	ssettag $0x2  }
0x6c: {  	s0 =	rddreg [dreg:$0x0];
	s2 =	stileid.u32  }
0x6d: {  	s1 =	rddreg [dreg:$0x1];
	p0 =	sne.s32 s2, $0x0  }
0x6e: {  	s3 =	rddreg [dreg:$0x2];
	[bflag:$0x3] =	sbarrier.arrive $0xFFFF;
	s2 =	simm.s32 @!p0 $0x1C03  }
0x6f: {  	[timem:s3], [sflag:s2] =	dma.local @!p0 [hbm:s0], s1  }
0x70: {  	s0 =	simm.s32 @!p0 $0x3  }
0x71: {  	_ =	swait.ge @!p0 [sflag:s0], s1  }
0x72: {  	s1 =	ssub.s32 @!p0 $0x0, s1;
	[sflag:s0] =	ssyncset.done @!p0 $0x0  }
0x73: {  	[sflag:s0] =	ssyncadd.s32 @!p0 s1  }
0x74: {  	[bflag:$0x3] =	sbarrier.arrive $0xFFFF  }
0x75: {  	_ =	shalt  }

</sc_bundles>
